<compile_context>
chip_gen: v7x
topology: tpu7x:2x2x1
jax: 0.10.2.dev20260603
libtpu: 0.0.44.dev20260713+nightly
codegen_flags: <defaults>
</compile_context>

<pallas_src>
import functools

import jax
import jax.numpy as jnp
from jax import lax
from jax.experimental import pallas as pl
from jax.experimental.pallas import tpu as pltpu
from jax.experimental.pallas import tpu_sc as plsc

_NC = 2
_NS = 16
_NW = _NC * _NS
_CH = 16


def _make_gather(vocab: int, d: int, b: int):
  b_per_w = b // _NW
  nchunk = b_per_w // _CH
  mesh = plsc.VectorSubcoreMesh(
      core_axis_name="c", subcore_axis_name="s",
      num_cores=_NC, num_subcores=_NS)

  @functools.partial(
      pl.kernel,
      out_type=jax.ShapeDtypeStruct((b, d), jnp.float32),
      mesh=mesh,
      scratch_types=[
          pltpu.VMEM((b_per_w,), jnp.int32),
          pltpu.VMEM((2, _CH, d), jnp.float32),
          pltpu.SemaphoreType.DMA,
          pltpu.SemaphoreType.DMA,
          pltpu.SemaphoreType.DMA,
          pltpu.SemaphoreType.DMA,
      ],
  )
  def gather(ids_hbm, table_hbm, out_hbm, idx_v, rows_v, g0, g1, o0, o1):
    gsem = (g0, g1)
    osem = (o0, o1)
    wid = lax.axis_index("s") * _NC + lax.axis_index("c")
    base = wid * b_per_w
    pltpu.sync_copy(ids_hbm.at[pl.ds(base, b_per_w)], idx_v)

    def gather_desc(c, buf):
      idx = idx_v.at[pl.ds(c * _CH, _CH)]
      return pltpu.make_async_copy(table_hbm.at[idx], rows_v.at[buf], gsem[buf])

    def out_desc(c, buf):
      return pltpu.make_async_copy(
          rows_v.at[buf], out_hbm.at[pl.ds(base + c * _CH, _CH)], osem[buf])

    gather_desc(0, 0).start()
    gather_desc(1, 1).start()

    def body(g, carry):
      for buf in (0, 1):
        c = 2 * g + buf
        gather_desc(c, buf).wait()
        out_desc(c, buf).start()

        @pl.when(c + 2 < nchunk)
        def _():
          out_desc(c, buf).wait()
          gather_desc(c + 2, buf).start()

      return carry

    lax.fori_loop(0, nchunk // 2, body, 0, unroll=False)
    out_desc(nchunk - 2, 0).wait()
    out_desc(nchunk - 1, 1).wait()

  return gather


def kernel(input_ids, embed):
  bsz, seq = input_ids.shape
  vocab, d = embed.shape
  flat = input_ids.reshape(bsz * seq)
  out = _make_gather(vocab, d, bsz * seq)(flat, embed)
  return out.reshape(bsz, seq, d)

# --- scband reference (transcript-rebuilt; emitter-appended) ---
"""Pipeline reference for scband-first-stage-10651518894599 (READ-ONLY COPY).

The authoritative reference and input builder live on the scoring server;
editing this copy changes nothing except your own understanding.
"""

import jax, jax.numpy as jnp
import numpy as np

VOCAB = 128256
D_MODEL = 2048
BATCH = 4
SEQ = 4096


def setup_inputs(seed: int = 0) -> dict:
    key = jax.random.key(seed)
    k_ids, k_emb = jax.random.split(key)
    input_ids = jax.random.randint(k_ids, (BATCH, SEQ), 0, VOCAB, dtype=jnp.int32)
    # Learned embedding table (nn.Embedding(cfg.vocab_size, cfg.hidden_size))
    embed = jax.random.normal(k_emb, (VOCAB, D_MODEL), dtype=jnp.float32) * 0.02
    return {"input_ids": input_ids, "embed": embed}


def reference(input_ids, embed):
    # FirstStage.forward: x = self.embed(input_ids); return x
    # (self.layers are constructed but never applied in forward)
    return jnp.take(embed, input_ids, axis=0)

if __name__ == "__main__":
    import jax
    _d = setup_inputs()
    print(jax.jit(kernel)(*tuple(_d.values())))

</pallas_src>

<mosaic_0001>
#map = affine_map<(d0, d1) -> (0)>
#map1 = affine_map<(d0, d1) -> (0, 0)>
module attributes {stable_mosaic.version = 14 : i64} {
  func.func @gather(%arg0: i32, %arg1: i32, %arg2: memref<16384xi32, #tpu.memory_space<hbm>>, %arg3: memref<128256x2048xf32, #tpu.memory_space<hbm>>, %arg4: memref<16384x2048xf32, #tpu.memory_space<hbm>>, %arg5: memref<512xi32, #tpu.memory_space<vmem>>, %arg6: memref<2x16x2048xf32, #tpu.memory_space<vmem>>, %arg7: memref<!tpu.dma_semaphore, #tpu.memory_space<semaphore_mem>>, %arg8: memref<!tpu.dma_semaphore, #tpu.memory_space<semaphore_mem>>, %arg9: memref<!tpu.dma_semaphore, #tpu.memory_space<semaphore_mem>>, %arg10: memref<!tpu.dma_semaphore, #tpu.memory_space<semaphore_mem>>) attributes {dimension_semantics = [#tpu.dimension_semantics<core_parallel>, #tpu.dimension_semantics<subcore_parallel>], iteration_bounds = array<i64: 2, 16>, scalar_prefetch = 0 : i64, scratch_operands = 6 : i64, tpu.core_type = #tpu.core_type<sc_vector_subcore>, window_params = [{transform_indices = #map}, {transform_indices = #map1}, {transform_indices = #map1}]} {
    %mul3A = arith.constant 2 : i32
    %mul3A_0 = arith.muli %arg1, %mul3A : i32
    %add3A = arith.addi %mul3A_0, %arg0 : i32
    %mul3A_1 = arith.constant 512 : i32
    %mul3A_2 = arith.muli %add3A, %mul3A_1 : i32
    "tpu.region"() ({
      %run_scoped3A = tpu.sem_alloc : memref<!tpu.dma_semaphore, #tpu.memory_space<semaphore_mem>>
      %dma_start3A_56 = tpu.memref_slice %arg2[%mul3A_2] : memref<16384xi32, #tpu.memory_space<hbm>> -> memref<512xi32, #tpu.memory_space<hbm>>
      %dma_start3A_57 = tpu.memref_slice %arg2[%mul3A_2] : memref<16384xi32, #tpu.memory_space<hbm>> -> memref<512xi32, #tpu.memory_space<hbm>>
      tpu.enqueue_dma source(%dma_start3A_57 : memref<512xi32, #tpu.memory_space<hbm>>) target(%arg5 : memref<512xi32, #tpu.memory_space<vmem>>) target_semaphore(%run_scoped3A : memref<!tpu.dma_semaphore, #tpu.memory_space<semaphore_mem>>)
      %dma_wait3A_58 = tpu.memref_slice %arg2[%mul3A_2] : memref<16384xi32, #tpu.memory_space<hbm>> -> memref<512xi32, #tpu.memory_space<hbm>>
      %dma_wait3A_59 = tpu.memref_slice %arg2[%mul3A_2] : memref<16384xi32, #tpu.memory_space<hbm>> -> memref<512xi32, #tpu.memory_space<hbm>>
      tpu.wait_dma2 semaphore(%run_scoped3A : memref<!tpu.dma_semaphore, #tpu.memory_space<semaphore_mem>>) src(%dma_wait3A_59 : memref<512xi32, #tpu.memory_space<hbm>>) dst(%arg5 : memref<512xi32, #tpu.memory_space<vmem>>)
      tpu.yield
    }) : () -> ()
    %dma_start3A = arith.constant 0 : i32
    %dma_start3A_3 = arith.constant 0 : i32
    %dma_start3A_4 = arith.constant 0 : i32
    %dma_start3A_5 = tpu.memref_slice %arg6[%dma_start3A, %dma_start3A_3, %dma_start3A_4] : memref<2x16x2048xf32, #tpu.memory_space<vmem>> -> memref<1x16x2048xf32, #tpu.memory_space<vmem>>
    %dma_start3A_6 = tpu.memref_squeeze %dma_start3A_5 : memref<1x16x2048xf32, #tpu.memory_space<vmem>> -> memref<16x2048xf32, #tpu.memory_space<vmem>>
    %dma_start3A_7 = arith.constant 0 : i32
    %dma_start3A_8 = tpu.memref_slice %arg5[%dma_start3A_7] : memref<512xi32, #tpu.memory_space<vmem>> -> memref<16xi32, #tpu.memory_space<vmem>>
    %dma_start3A_9 = arith.constant 0 : i32
    %dma_start3A_10 = arith.constant 0 : i32
    %dma_start3A_11 = tpu.memref_slice %arg3[%dma_start3A_9, %dma_start3A_10] : memref<128256x2048xf32, #tpu.memory_space<hbm>> -> memref<128256x2048xf32, #tpu.memory_space<hbm>>
    tpu.enqueue_indirect_dma source(%dma_start3A_11 : memref<128256x2048xf32, #tpu.memory_space<hbm>>) target(%dma_start3A_6 : memref<16x2048xf32, #tpu.memory_space<vmem>>) offsets(%dma_start3A_8 : memref<16xi32, #tpu.memory_space<vmem>>) semaphore(%arg7 : memref<!tpu.dma_semaphore, #tpu.memory_space<semaphore_mem>>)
    %dma_start3A_12 = arith.constant 1 : i32
    %dma_start3A_13 = arith.constant 0 : i32
    %dma_start3A_14 = arith.constant 0 : i32
    %dma_start3A_15 = tpu.memref_slice %arg6[%dma_start3A_12, %dma_start3A_13, %dma_start3A_14] : memref<2x16x2048xf32, #tpu.memory_space<vmem>> -> memref<1x16x2048xf32, #tpu.memory_space<vmem>>
    %dma_start3A_16 = tpu.memref_squeeze %dma_start3A_15 : memref<1x16x2048xf32, #tpu.memory_space<vmem>> -> memref<16x2048xf32, #tpu.memory_space<vmem>>
    %dma_start3A_17 = arith.constant 16 : i32
    %dma_start3A_18 = tpu.memref_slice %arg5[%dma_start3A_17] : memref<512xi32, #tpu.memory_space<vmem>> -> memref<16xi32, #tpu.memory_space<vmem>>
    %dma_start3A_19 = arith.constant 0 : i32
    %dma_start3A_20 = arith.constant 0 : i32
    %dma_start3A_21 = tpu.memref_slice %arg3[%dma_start3A_19, %dma_start3A_20] : memref<128256x2048xf32, #tpu.memory_space<hbm>> -> memref<128256x2048xf32, #tpu.memory_space<hbm>>
    tpu.enqueue_indirect_dma source(%dma_start3A_21 : memref<128256x2048xf32, #tpu.memory_space<hbm>>) target(%dma_start3A_16 : memref<16x2048xf32, #tpu.memory_space<vmem>>) offsets(%dma_start3A_18 : memref<16xi32, #tpu.memory_space<vmem>>) semaphore(%arg8 : memref<!tpu.dma_semaphore, #tpu.memory_space<semaphore_mem>>)
    %scan3A = arith.constant 0 : i32
    %scan3A_22 = arith.constant 0 : i32
    %scan3A_23 = arith.constant 16 : i32
    %scan3A_24 = arith.addi %scan3A_22, %scan3A_23 : i32
    %scan3A_25 = arith.constant 1 : i32
    scf.for %scan3A_56 = %scan3A_22 to %scan3A_24 step %scan3A_25  : i32 {
      %mul3A_57 = arith.constant 2 : i32
      %mul3A_58 = arith.muli %mul3A_57, %scan3A_56 : i32
      %add3A_59 = arith.constant 0 : i32
      %add3A_60 = arith.addi %mul3A_58, %add3A_59 : i32
      %mul3A_61 = arith.constant 16 : i32
      %mul3A_62 = arith.muli %add3A_60, %mul3A_61 : i32
      %dma_wait3A_63 = arith.constant 0 : i32
      %dma_wait3A_64 = arith.constant 0 : i32
      %dma_wait3A_65 = arith.constant 0 : i32
      %dma_wait3A_66 = tpu.memref_slice %arg6[%dma_wait3A_63, %dma_wait3A_64, %dma_wait3A_65] : memref<2x16x2048xf32, #tpu.memory_space<vmem>> -> memref<1x16x2048xf32, #tpu.memory_space<vmem>>
      %dma_wait3A_67 = tpu.memref_squeeze %dma_wait3A_66 : memref<1x16x2048xf32, #tpu.memory_space<vmem>> -> memref<16x2048xf32, #tpu.memory_space<vmem>>
      %dma_wait3A_68 = tpu.memref_slice %arg5[%mul3A_62] : memref<512xi32, #tpu.memory_space<vmem>> -> memref<16xi32, #tpu.memory_space<vmem>>
      %dma_wait3A_69 = arith.constant 0 : i32
      %dma_wait3A_70 = arith.constant 0 : i32
      %dma_wait3A_71 = tpu.memref_slice %arg3[%dma_wait3A_69, %dma_wait3A_70] : memref<128256x2048xf32, #tpu.memory_space<hbm>> -> memref<128256x2048xf32, #tpu.memory_space<hbm>>
      tpu.wait_indirect_dma semaphore(%arg7 : memref<!tpu.dma_semaphore, #tpu.memory_space<semaphore_mem>>) src(%dma_wait3A_71 : memref<128256x2048xf32, #tpu.memory_space<hbm>>) dst(%dma_wait3A_67 : memref<16x2048xf32, #tpu.memory_space<vmem>>)
      %mul3A_72 = arith.constant 16 : i32
      %mul3A_73 = arith.muli %add3A_60, %mul3A_72 : i32
      %add3A_74 = arith.addi %mul3A_2, %mul3A_73 : i32
      %dma_start3A_75 = arith.constant 0 : i32
      %dma_start3A_76 = arith.constant 0 : i32
      %dma_start3A_77 = arith.constant 0 : i32
      %dma_start3A_78 = tpu.memref_slice %arg6[%dma_start3A_75, %dma_start3A_76, %dma_start3A_77] : memref<2x16x2048xf32, #tpu.memory_space<vmem>> -> memref<1x16x2048xf32, #tpu.memory_space<vmem>>
      %dma_start3A_79 = tpu.memref_squeeze %dma_start3A_78 : memref<1x16x2048xf32, #tpu.memory_space<vmem>> -> memref<16x2048xf32, #tpu.memory_space<vmem>>
      %dma_start3A_80 = arith.constant 0 : i32
      %dma_start3A_81 = tpu.memref_slice %arg4[%add3A_74, %dma_start3A_80] : memref<16384x2048xf32, #tpu.memory_space<hbm>> -> memref<16x2048xf32, #tpu.memory_space<hbm>>
      %dma_start3A_82 = arith.constant 0 : i32
      %dma_start3A_83 = tpu.memref_slice %arg4[%add3A_74, %dma_start3A_82] : memref<16384x2048xf32, #tpu.memory_space<hbm>> -> memref<16x2048xf32, #tpu.memory_space<hbm>>
      %dma_start3A_84 = arith.constant 0 : i32
      %dma_start3A_85 = arith.constant 0 : i32
      %dma_start3A_86 = tpu.memref_slice %arg6[%dma_start3A_75, %dma_start3A_84, %dma_start3A_85] : memref<2x16x2048xf32, #tpu.memory_space<vmem>> -> memref<1x16x2048xf32, #tpu.memory_space<vmem>>
      %dma_start3A_87 = tpu.memref_squeeze %dma_start3A_86 : memref<1x16x2048xf32, #tpu.memory_space<vmem>> -> memref<16x2048xf32, #tpu.memory_space<vmem>>
      tpu.enqueue_dma source(%dma_start3A_87 : memref<16x2048xf32, #tpu.memory_space<vmem>>) target(%dma_start3A_83 : memref<16x2048xf32, #tpu.memory_space<hbm>>) target_semaphore(%arg9 : memref<!tpu.dma_semaphore, #tpu.memory_space<semaphore_mem>>)
      %add3A_88 = arith.constant 2 : i32
      %add3A_89 = arith.addi %add3A_60, %add3A_88 : i32
      %lt3A = arith.constant 32 : i32
      %lt3A_90 = arith.cmpi slt, %add3A_89, %lt3A : i32
      %convert_element_type3A = arith.extui %lt3A_90 : i1 to i32
      %cond3A = arith.constant 0 : i32
      %cond3A_91 = arith.cmpi ne, %convert_element_type3A, %cond3A : i32
      scf.if %cond3A_91 {
        %mul3A_130 = arith.constant 16 : i32
        %mul3A_131 = arith.muli %add3A_60, %mul3A_130 : i32
        %add3A_132 = arith.addi %mul3A_2, %mul3A_131 : i32
        %dma_wait3A_133 = arith.constant 0 : i32
        %dma_wait3A_134 = arith.constant 0 : i32
        %dma_wait3A_135 = arith.constant 0 : i32
        %dma_wait3A_136 = tpu.memref_slice %arg6[%dma_wait3A_133, %dma_wait3A_134, %dma_wait3A_135] : memref<2x16x2048xf32, #tpu.memory_space<vmem>> -> memref<1x16x2048xf32, #tpu.memory_space<vmem>>
        %dma_wait3A_137 = tpu.memref_squeeze %dma_wait3A_136 : memref<1x16x2048xf32, #tpu.memory_space<vmem>> -> memref<16x2048xf32, #tpu.memory_space<vmem>>
        %dma_wait3A_138 = arith.constant 0 : i32
        %dma_wait3A_139 = tpu.memref_slice %arg4[%add3A_132, %dma_wait3A_138] : memref<16384x2048xf32, #tpu.memory_space<hbm>> -> memref<16x2048xf32, #tpu.memory_space<hbm>>
        %dma_wait3A_140 = arith.constant 0 : i32
        %dma_wait3A_141 = tpu.memref_slice %arg4[%add3A_132, %dma_wait3A_140] : memref<16384x2048xf32, #tpu.memory_space<hbm>> -> memref<16x2048xf32, #tpu.memory_space<hbm>>
        %dma_wait3A_142 = arith.constant 0 : i32
        %dma_wait3A_143 = arith.constant 0 : i32
        %dma_wait3A_144 = tpu.memref_slice %arg6[%dma_wait3A_133, %dma_wait3A_142, %dma_wait3A_143] : memref<2x16x2048xf32, #tpu.memory_space<vmem>> -> memref<1x16x2048xf32, #tpu.memory_space<vmem>>
        %dma_wait3A_145 = tpu.memref_squeeze %dma_wait3A_144 : memref<1x16x2048xf32, #tpu.memory_space<vmem>> -> memref<16x2048xf32, #tpu.memory_space<vmem>>
        tpu.wait_dma2 semaphore(%arg9 : memref<!tpu.dma_semaphore, #tpu.memory_space<semaphore_mem>>) src(%dma_wait3A_145 : memref<16x2048xf32, #tpu.memory_space<vmem>>) dst(%dma_wait3A_141 : memref<16x2048xf32, #tpu.memory_space<hbm>>)
        %add3A_146 = arith.constant 2 : i32
        %add3A_147 = arith.addi %add3A_60, %add3A_146 : i32
        %mul3A_148 = arith.constant 16 : i32
        %mul3A_149 = arith.muli %add3A_147, %mul3A_148 : i32
        %dma_start3A_150 = arith.constant 0 : i32
        %dma_start3A_151 = arith.constant 0 : i32
        %dma_start3A_152 = arith.constant 0 : i32
        %dma_start3A_153 = tpu.memref_slice %arg6[%dma_start3A_150, %dma_start3A_151, %dma_start3A_152] : memref<2x16x2048xf32, #tpu.memory_space<vmem>> -> memref<1x16x2048xf32, #tpu.memory_space<vmem>>
        %dma_start3A_154 = tpu.memref_squeeze %dma_start3A_153 : memref<1x16x2048xf32, #tpu.memory_space<vmem>> -> memref<16x2048xf32, #tpu.memory_space<vmem>>
        %dma_start3A_155 = tpu.memref_slice %arg5[%mul3A_149] : memref<512xi32, #tpu.memory_space<vmem>> -> memref<16xi32, #tpu.memory_space<vmem>>
        %dma_start3A_156 = arith.constant 0 : i32
        %dma_start3A_157 = arith.constant 0 : i32
        %dma_start3A_158 = tpu.memref_slice %arg3[%dma_start3A_156, %dma_start3A_157] : memref<128256x2048xf32, #tpu.memory_space<hbm>> -> memref<128256x2048xf32, #tpu.memory_space<hbm>>
        tpu.enqueue_indirect_dma source(%dma_start3A_158 : memref<128256x2048xf32, #tpu.memory_space<hbm>>) target(%dma_start3A_154 : memref<16x2048xf32, #tpu.memory_space<vmem>>) offsets(%dma_start3A_155 : memref<16xi32, #tpu.memory_space<vmem>>) semaphore(%arg7 : memref<!tpu.dma_semaphore, #tpu.memory_space<semaphore_mem>>)
      } else {
      }
      %mul3A_92 = arith.constant 2 : i32
      %mul3A_93 = arith.muli %mul3A_92, %scan3A_56 : i32
      %add3A_94 = arith.constant 1 : i32
      %add3A_95 = arith.addi %mul3A_93, %add3A_94 : i32
      %mul3A_96 = arith.constant 16 : i32
      %mul3A_97 = arith.muli %add3A_95, %mul3A_96 : i32
      %dma_wait3A_98 = arith.constant 1 : i32
      %dma_wait3A_99 = arith.constant 0 : i32
      %dma_wait3A_100 = arith.constant 0 : i32
      %dma_wait3A_101 = tpu.memref_slice %arg6[%dma_wait3A_98, %dma_wait3A_99, %dma_wait3A_100] : memref<2x16x2048xf32, #tpu.memory_space<vmem>> -> memref<1x16x2048xf32, #tpu.memory_space<vmem>>
      %dma_wait3A_102 = tpu.memref_squeeze %dma_wait3A_101 : memref<1x16x2048xf32, #tpu.memory_space<vmem>> -> memref<16x2048xf32, #tpu.memory_space<vmem>>
      %dma_wait3A_103 = tpu.memref_slice %arg5[%mul3A_97] : memref<512xi32, #tpu.memory_space<vmem>> -> memref<16xi32, #tpu.memory_space<vmem>>
      %dma_wait3A_104 = arith.constant 0 : i32
      %dma_wait3A_105 = arith.constant 0 : i32
      %dma_wait3A_106 = tpu.memref_slice %arg3[%dma_wait3A_104, %dma_wait3A_105] : memref<128256x2048xf32, #tpu.memory_space<hbm>> -> memref<128256x2048xf32, #tpu.memory_space<hbm>>
      tpu.wait_indirect_dma semaphore(%arg8 : memref<!tpu.dma_semaphore, #tpu.memory_space<semaphore_mem>>) src(%dma_wait3A_106 : memref<128256x2048xf32, #tpu.memory_space<hbm>>) dst(%dma_wait3A_102 : memref<16x2048xf32, #tpu.memory_space<vmem>>)
      %mul3A_107 = arith.constant 16 : i32
      %mul3A_108 = arith.muli %add3A_95, %mul3A_107 : i32
      %add3A_109 = arith.addi %mul3A_2, %mul3A_108 : i32
      %dma_start3A_110 = arith.constant 1 : i32
      %dma_start3A_111 = arith.constant 0 : i32
      %dma_start3A_112 = arith.constant 0 : i32
      %dma_start3A_113 = tpu.memref_slice %arg6[%dma_start3A_110, %dma_start3A_111, %dma_start3A_112] : memref<2x16x2048xf32, #tpu.memory_space<vmem>> -> memref<1x16x2048xf32, #tpu.memory_space<vmem>>
      %dma_start3A_114 = tpu.memref_squeeze %dma_start3A_113 : memref<1x16x2048xf32, #tpu.memory_space<vmem>> -> memref<16x2048xf32, #tpu.memory_space<vmem>>
      %dma_start3A_115 = arith.constant 0 : i32
      %dma_start3A_116 = tpu.memref_slice %arg4[%add3A_109, %dma_start3A_115] : memref<16384x2048xf32, #tpu.memory_space<hbm>> -> memref<16x2048xf32, #tpu.memory_space<hbm>>
      %dma_start3A_117 = arith.constant 0 : i32
      %dma_start3A_118 = tpu.memref_slice %arg4[%add3A_109, %dma_start3A_117] : memref<16384x2048xf32, #tpu.memory_space<hbm>> -> memref<16x2048xf32, #tpu.memory_space<hbm>>
      %dma_start3A_119 = arith.constant 0 : i32
      %dma_start3A_120 = arith.constant 0 : i32
      %dma_start3A_121 = tpu.memref_slice %arg6[%dma_start3A_110, %dma_start3A_119, %dma_start3A_120] : memref<2x16x2048xf32, #tpu.memory_space<vmem>> -> memref<1x16x2048xf32, #tpu.memory_space<vmem>>
      %dma_start3A_122 = tpu.memref_squeeze %dma_start3A_121 : memref<1x16x2048xf32, #tpu.memory_space<vmem>> -> memref<16x2048xf32, #tpu.memory_space<vmem>>
      tpu.enqueue_dma source(%dma_start3A_122 : memref<16x2048xf32, #tpu.memory_space<vmem>>) target(%dma_start3A_118 : memref<16x2048xf32, #tpu.memory_space<hbm>>) target_semaphore(%arg10 : memref<!tpu.dma_semaphore, #tpu.memory_space<semaphore_mem>>)
      %add3A_123 = arith.constant 2 : i32
      %add3A_124 = arith.addi %add3A_95, %add3A_123 : i32
      %lt3A_125 = arith.constant 32 : i32
      %lt3A_126 = arith.cmpi slt, %add3A_124, %lt3A_125 : i32
      %convert_element_type3A_127 = arith.extui %lt3A_126 : i1 to i32
      %cond3A_128 = arith.constant 0 : i32
      %cond3A_129 = arith.cmpi ne, %convert_element_type3A_127, %cond3A_128 : i32
      scf.if %cond3A_129 {
        %mul3A_130 = arith.constant 16 : i32
        %mul3A_131 = arith.muli %add3A_95, %mul3A_130 : i32
        %add3A_132 = arith.addi %mul3A_2, %mul3A_131 : i32
        %dma_wait3A_133 = arith.constant 1 : i32
        %dma_wait3A_134 = arith.constant 0 : i32
        %dma_wait3A_135 = arith.constant 0 : i32
        %dma_wait3A_136 = tpu.memref_slice %arg6[%dma_wait3A_133, %dma_wait3A_134, %dma_wait3A_135] : memref<2x16x2048xf32, #tpu.memory_space<vmem>> -> memref<1x16x2048xf32, #tpu.memory_space<vmem>>
        %dma_wait3A_137 = tpu.memref_squeeze %dma_wait3A_136 : memref<1x16x2048xf32, #tpu.memory_space<vmem>> -> memref<16x2048xf32, #tpu.memory_space<vmem>>
        %dma_wait3A_138 = arith.constant 0 : i32
        %dma_wait3A_139 = tpu.memref_slice %arg4[%add3A_132, %dma_wait3A_138] : memref<16384x2048xf32, #tpu.memory_space<hbm>> -> memref<16x2048xf32, #tpu.memory_space<hbm>>
        %dma_wait3A_140 = arith.constant 0 : i32
        %dma_wait3A_141 = tpu.memref_slice %arg4[%add3A_132, %dma_wait3A_140] : memref<16384x2048xf32, #tpu.memory_space<hbm>> -> memref<16x2048xf32, #tpu.memory_space<hbm>>
        %dma_wait3A_142 = arith.constant 0 : i32
        %dma_wait3A_143 = arith.constant 0 : i32
        %dma_wait3A_144 = tpu.memref_slice %arg6[%dma_wait3A_133, %dma_wait3A_142, %dma_wait3A_143] : memref<2x16x2048xf32, #tpu.memory_space<vmem>> -> memref<1x16x2048xf32, #tpu.memory_space<vmem>>
        %dma_wait3A_145 = tpu.memref_squeeze %dma_wait3A_144 : memref<1x16x2048xf32, #tpu.memory_space<vmem>> -> memref<16x2048xf32, #tpu.memory_space<vmem>>
        tpu.wait_dma2 semaphore(%arg10 : memref<!tpu.dma_semaphore, #tpu.memory_space<semaphore_mem>>) src(%dma_wait3A_145 : memref<16x2048xf32, #tpu.memory_space<vmem>>) dst(%dma_wait3A_141 : memref<16x2048xf32, #tpu.memory_space<hbm>>)
        %add3A_146 = arith.constant 2 : i32
        %add3A_147 = arith.addi %add3A_95, %add3A_146 : i32
        %mul3A_148 = arith.constant 16 : i32
        %mul3A_149 = arith.muli %add3A_147, %mul3A_148 : i32
        %dma_start3A_150 = arith.constant 1 : i32
        %dma_start3A_151 = arith.constant 0 : i32
        %dma_start3A_152 = arith.constant 0 : i32
        %dma_start3A_153 = tpu.memref_slice %arg6[%dma_start3A_150, %dma_start3A_151, %dma_start3A_152] : memref<2x16x2048xf32, #tpu.memory_space<vmem>> -> memref<1x16x2048xf32, #tpu.memory_space<vmem>>
        %dma_start3A_154 = tpu.memref_squeeze %dma_start3A_153 : memref<1x16x2048xf32, #tpu.memory_space<vmem>> -> memref<16x2048xf32, #tpu.memory_space<vmem>>
        %dma_start3A_155 = tpu.memref_slice %arg5[%mul3A_149] : memref<512xi32, #tpu.memory_space<vmem>> -> memref<16xi32, #tpu.memory_space<vmem>>
        %dma_start3A_156 = arith.constant 0 : i32
        %dma_start3A_157 = arith.constant 0 : i32
        %dma_start3A_158 = tpu.memref_slice %arg3[%dma_start3A_156, %dma_start3A_157] : memref<128256x2048xf32, #tpu.memory_space<hbm>> -> memref<128256x2048xf32, #tpu.memory_space<hbm>>
        tpu.enqueue_indirect_dma source(%dma_start3A_158 : memref<128256x2048xf32, #tpu.memory_space<hbm>>) target(%dma_start3A_154 : memref<16x2048xf32, #tpu.memory_space<vmem>>) offsets(%dma_start3A_155 : memref<16xi32, #tpu.memory_space<vmem>>) semaphore(%arg8 : memref<!tpu.dma_semaphore, #tpu.memory_space<semaphore_mem>>)
      } else {
      }
    }
    %scan3A_26 = arith.constant 16 : i32
    %add3A_27 = arith.constant 480 : i32
    %add3A_28 = arith.addi %mul3A_2, %add3A_27 : i32
    %dma_wait3A = arith.constant 0 : i32
    %dma_wait3A_29 = arith.constant 0 : i32
    %dma_wait3A_30 = arith.constant 0 : i32
    %dma_wait3A_31 = tpu.memref_slice %arg6[%dma_wait3A, %dma_wait3A_29, %dma_wait3A_30] : memref<2x16x2048xf32, #tpu.memory_space<vmem>> -> memref<1x16x2048xf32, #tpu.memory_space<vmem>>
    %dma_wait3A_32 = tpu.memref_squeeze %dma_wait3A_31 : memref<1x16x2048xf32, #tpu.memory_space<vmem>> -> memref<16x2048xf32, #tpu.memory_space<vmem>>
    %dma_wait3A_33 = arith.constant 0 : i32
    %dma_wait3A_34 = tpu.memref_slice %arg4[%add3A_28, %dma_wait3A_33] : memref<16384x2048xf32, #tpu.memory_space<hbm>> -> memref<16x2048xf32, #tpu.memory_space<hbm>>
    %dma_wait3A_35 = arith.constant 0 : i32
    %dma_wait3A_36 = tpu.memref_slice %arg4[%add3A_28, %dma_wait3A_35] : memref<16384x2048xf32, #tpu.memory_space<hbm>> -> memref<16x2048xf32, #tpu.memory_space<hbm>>
    %dma_wait3A_37 = arith.constant 0 : i32
    %dma_wait3A_38 = arith.constant 0 : i32
    %dma_wait3A_39 = tpu.memref_slice %arg6[%dma_wait3A, %dma_wait3A_37, %dma_wait3A_38] : memref<2x16x2048xf32, #tpu.memory_space<vmem>> -> memref<1x16x2048xf32, #tpu.memory_space<vmem>>
    %dma_wait3A_40 = tpu.memref_squeeze %dma_wait3A_39 : memref<1x16x2048xf32, #tpu.memory_space<vmem>> -> memref<16x2048xf32, #tpu.memory_space<vmem>>
    tpu.wait_dma2 semaphore(%arg9 : memref<!tpu.dma_semaphore, #tpu.memory_space<semaphore_mem>>) src(%dma_wait3A_40 : memref<16x2048xf32, #tpu.memory_space<vmem>>) dst(%dma_wait3A_36 : memref<16x2048xf32, #tpu.memory_space<hbm>>)
    %add3A_41 = arith.constant 496 : i32
    %add3A_42 = arith.addi %mul3A_2, %add3A_41 : i32
    %dma_wait3A_43 = arith.constant 1 : i32
    %dma_wait3A_44 = arith.constant 0 : i32
    %dma_wait3A_45 = arith.constant 0 : i32
    %dma_wait3A_46 = tpu.memref_slice %arg6[%dma_wait3A_43, %dma_wait3A_44, %dma_wait3A_45] : memref<2x16x2048xf32, #tpu.memory_space<vmem>> -> memref<1x16x2048xf32, #tpu.memory_space<vmem>>
    %dma_wait3A_47 = tpu.memref_squeeze %dma_wait3A_46 : memref<1x16x2048xf32, #tpu.memory_space<vmem>> -> memref<16x2048xf32, #tpu.memory_space<vmem>>
    %dma_wait3A_48 = arith.constant 0 : i32
    %dma_wait3A_49 = tpu.memref_slice %arg4[%add3A_42, %dma_wait3A_48] : memref<16384x2048xf32, #tpu.memory_space<hbm>> -> memref<16x2048xf32, #tpu.memory_space<hbm>>
    %dma_wait3A_50 = arith.constant 0 : i32
    %dma_wait3A_51 = tpu.memref_slice %arg4[%add3A_42, %dma_wait3A_50] : memref<16384x2048xf32, #tpu.memory_space<hbm>> -> memref<16x2048xf32, #tpu.memory_space<hbm>>
    %dma_wait3A_52 = arith.constant 0 : i32
    %dma_wait3A_53 = arith.constant 0 : i32
    %dma_wait3A_54 = tpu.memref_slice %arg6[%dma_wait3A_43, %dma_wait3A_52, %dma_wait3A_53] : memref<2x16x2048xf32, #tpu.memory_space<vmem>> -> memref<1x16x2048xf32, #tpu.memory_space<vmem>>
    %dma_wait3A_55 = tpu.memref_squeeze %dma_wait3A_54 : memref<1x16x2048xf32, #tpu.memory_space<vmem>> -> memref<16x2048xf32, #tpu.memory_space<vmem>>
    tpu.wait_dma2 semaphore(%arg10 : memref<!tpu.dma_semaphore, #tpu.memory_space<semaphore_mem>>) src(%dma_wait3A_55 : memref<16x2048xf32, #tpu.memory_space<vmem>>) dst(%dma_wait3A_51 : memref<16x2048xf32, #tpu.memory_space<hbm>>)
    return
  }
}

</mosaic_0001>

<sc_bundles>
// kernel: kernel.3.cloned.1.call-start
scs
__scs_entry_jumppad:
0x0: {  	(pc) =	sbr.rel $0x88, $3  }
0x1: {  	(tag) =	ssettag $0x0;
	lr =	simm.s32 $0x1  }
0x2: {  	[smem:$0x3F9F] =	sst lr;
	_ =	strace $0xD0000000  }
0x3: {  	_ = 	snop  }
0x4: {  	_ = 	snop  }
0x5: {  	_ = 	snop  }
0x6: {  	_ = 	snop  }
0x7: {  	_ = 	snop  }
__scs_overlays_trampoline_lowered:
0x8: {  	[smem:$0x3FAE] =	sst s0  }
0x9: {  	[smem:$0x3FAF] =	sst s1  }
0xa: {  	[smem:$0x3FB0] =	sst s2  }
0xb: {  	[smem:$0x3FB1] =	sst s3  }
0xc: {  	[smem:$0x3FB2] =	sst s4  }
0xd: {  	[smem:$0x3FB3] =	sst s5  }
0xe: {  	[smem:$0x3FB4] =	sst s6  }
0xf: {  	[smem:$0x3FB5] =	sst s7  }
0x10: {  	[smem:$0x3FB6] =	sst s8  }
0x11: {  	[smem:$0x3FB7] =	sst s9;
	s0 =	simm.s32 @!p0 $0x0  }
0x12: {  	s1 =	sld [smem:$0x3F9D];
	s0 =	simm.s32 @p0 $0x1  }
0x13: {  	[smem:$0x3FB8] =	sst s0;
	s0 =	simm.s32 @!p1 $0x0  }
0x14: {  	s2 =	sld [smem:$0x3F9C];
	s0 =	simm.s32 @p1 $0x1  }
0x15: {  	[smem:$0x3FB9] =	sst s0;
	s0 =	simm.s32 @!p2 $0x0  }
0x16: {  	s3 =	sld [smem:$0x3FDB];
	s0 =	simm.s32 @p2 $0x1  }
0x17: {  	s4 =	simm.s32 $0x1BF5;
	[smem:$0x3FBB] =	sst s0  }
0x18: {  	s0 =	sld [smem:$0x3F9E];
	_ =	swait.ge [sflag:s4], $0x0  }
0x19: {  	s7 =	sld [smem:$0x3F9F]  }
0x1a: {  	s8 =	sadd.s32 $0xFFFFE003, lr  }
0x1b: {  	s9 =	sadd.s32 $0xFFFFFEF7, lr;
	s5 =	simm.s32 $0xFFFFFFFF;
	p2 =	slt.u32 s8, $0xFFFFF086  }
0x1c: {  	p1 =	slt.u32 s9, $0xF7A;
	s5 =	simm.s32 @!p2 $0x0  }
0x1d: {  	s5 =	simm.s32 @p1 $0x1;
	p0 =	seq.s32 s7, s2  }
0x1e: {  	s7 =	smul.u32 @!p0 $0xF7A, s2;
	p2 =	seq.s32 @!p0 s5, $0x0  }
0x1f: {  	s9 =	smul.u32 $0xF7A, s1;
	s8 =	simm.s32 @!p0 $0x1BF5;
	p2 =	por !p2, p0  }
0x20: {  	[sflag:s8] =	ssyncset.s32 @!p0 $0xFFFFF086;
	s6 =	sadd.s32 @!p0 s3, s7;
	s7 =	simm.s32 @!p0 $0x108  }
0x21: {  	s3 =	sadd.s32 s3, s9;
	s6 =	sadd.s32 @!p0 $0x88, s6;
	s7 =	simm.s32 @p2 $0x1082  }
0x22: {  	[simem:s7], [sflag:s8] =	dma.local @!p0 [hbm:s6], $0xF7A  }
0x23: {  	s9 =	sor.u32 $0xD0000000, s2;
	s6 =	simm.s32 $0x108;
	_ =	swait.ge @!p0 [sflag:s8], $0x0  }
0x24: {  	s3 =	sadd.s32 $0x88, s3;
	s6 =	simm.s32 @!p1 $0x1082;
	[sflag:s4] =	ssyncset.s32 $0xFFFFF086  }
0x25: {  	[simem:s6], [sflag:s4] =	dma.local [hbm:s3], $0xF7A  }
0x26: {  	[smem:$0x3F9F] =	sst s1;
	(tag) =	ssettag s2;
	_ =	strace s9  }
0x27: {  	s1 =	sld [smem:$0x3FAF]  }
0x28: {  	s2 =	sld [smem:$0x3FB0]  }
0x29: {  	s4 =	sld [smem:$0x3FB2]  }
0x2a: {  	p0 =	seq.s32 s5, $0x0;
	s5 =	sld [smem:$0x3FB3]  }
0x2b: {  	s6 =	sld [smem:$0x3FB4]  }
0x2c: {  	s7 =	sld [smem:$0x3FB5]  }
0x2d: {  	s3 =	simm.s32 $0x108;
	s8 =	sld [smem:$0x3FB6]  }
0x2e: {  	s3 =	simm.s32 @!p0 $0x1082;
	s9 =	sld [smem:$0x3FB7]  }
0x2f: {  	lr =	sadd.s32 s0, s3;
	s0 =	sld [smem:$0x3FAE]  }
0x30: {  	s3 =	sld [smem:$0x3FB1]  }
0x31: {  	[smem:$0x3FBA] =	sst s10  }
0x32: {  	s10 =	sld [smem:$0x3FB8];
	_ =	sdelay $0x3  }
0x33: {  	p0 =	seq.s32 s10, $0x1;
	s10 =	sld [smem:$0x3FBA];
	_ =	sdelay $0x3  }
0x34: {  	[smem:$0x3FBA] =	sst s10  }
0x35: {  	s10 =	sld [smem:$0x3FB9];
	_ =	sdelay $0x3  }
0x36: {  	p1 =	seq.s32 s10, $0x1;
	s10 =	sld [smem:$0x3FBA];
	_ =	sdelay $0x3  }
0x37: {  	[smem:$0x3FBA] =	sst s10  }
0x38: {  	s10 =	sld [smem:$0x3FBB]  }
0x39: {  	_ = 	snop;
	(pc) =	sbr.ind lr, $3  }
0x3a: {  	_ = 	snop  }
0x3b: {  	_ = 	snop  }
0x3c: {  	p2 =	seq.s32 s10, $0x1;
	s10 =	sld [smem:$0x3FBA]  }
0x3d: {  	_ =	shalt  }
0x3e: {  	_ =	shalt  }
0x3f: {  	_ =	shalt  }
0x40: {  	_ =	shalt  }
0x41: {  	_ =	shalt  }
0x42: {  	_ =	shalt  }
0x43: {  	_ =	shalt  }
0x44: {  	_ =	shalt  }
0x45: {  	_ =	shalt  }
0x46: {  	_ =	shalt  }
0x47: {  	_ =	shalt  }
0x48: {  	_ =	shalt  }
0x49: {  	_ =	shalt  }
0x4a: {  	_ =	shalt  }
0x4b: {  	_ =	shalt  }
0x4c: {  	_ =	shalt  }
0x4d: {  	_ =	shalt  }
0x4e: {  	_ =	shalt  }
0x4f: {  	_ =	shalt  }
0x50: {  	_ =	shalt  }
0x51: {  	_ =	shalt  }
0x52: {  	_ =	shalt  }
0x53: {  	_ =	shalt  }
0x54: {  	_ =	shalt  }
0x55: {  	_ =	shalt  }
0x56: {  	_ =	shalt  }
0x57: {  	_ =	shalt  }
0x58: {  	_ =	shalt  }
0x59: {  	_ =	shalt  }
0x5a: {  	_ =	shalt  }
0x5b: {  	_ =	shalt  }
0x5c: {  	_ =	shalt  }
0x5d: {  	_ =	shalt  }
0x5e: {  	_ =	shalt  }
0x5f: {  	_ =	shalt  }
0x60: {  	_ =	shalt  }
0x61: {  	_ =	shalt  }
0x62: {  	_ =	shalt  }
0x63: {  	_ =	shalt  }
0x64: {  	_ =	shalt  }
0x65: {  	_ =	shalt  }
0x66: {  	_ =	shalt  }
0x67: {  	_ =	shalt  }
0x68: {  	_ =	shalt  }
0x69: {  	_ =	shalt  }
0x6a: {  	_ =	shalt  }
0x6b: {  	_ =	shalt  }
0x6c: {  	_ =	shalt  }
0x6d: {  	_ =	shalt  }
0x6e: {  	_ =	shalt  }
0x6f: {  	_ =	shalt  }
0x70: {  	_ =	shalt  }
0x71: {  	_ =	shalt  }
0x72: {  	_ =	shalt  }
0x73: {  	_ =	shalt  }
0x74: {  	_ =	shalt  }
0x75: {  	_ =	shalt  }
0x76: {  	_ =	shalt  }
0x77: {  	_ =	shalt  }
0x78: {  	_ =	shalt  }
0x79: {  	_ =	shalt  }
0x7a: {  	_ =	shalt  }
0x7b: {  	_ =	shalt  }
0x7c: {  	_ =	shalt  }
0x7d: {  	_ =	shalt  }
0x7e: {  	_ =	shalt  }
0x7f: {  	_ =	shalt  }
0x80: {  	_ =	shalt  }
0x81: {  	_ =	shalt  }
0x82: {  	_ =	shalt  }
0x83: {  	_ =	shalt  }
0x84: {  	_ =	shalt  }
0x85: {  	_ =	shalt  }
0x86: {  	_ =	shalt  }
0x87: {  	_ =	shalt  }
.Lfunc_end0:
.L_simem_size_0:
called_computation_lowered:
.L_overlay_start_0:
0x88: {  	s2 =	sld [smem:$0x3FD9]  }
0x89: {  	s3 =	sld [smem:$0x3FFE];
	_ =	sdelay $0x1  }
0x8a: {  	s1 =	srdreg.scid  }
0x8b: {  	s0 =	sand.u32 $0x1, s1  }
0x8c: {  	s17 =	sshll.u32 s0, $0xA;
	s2 =	sadd.s32 s3, s2  }
0x8d: {  	s2 =	sadd.s32 s2, s17  }
0x8e: {  	[smem:$0x3FC6] =	sst s2  }
0x8f: {  	_ = 	snop  }
0x90: {  	s2 =	sld [smem:$0x3FC8]  }
0x91: {  	s18 =	sld [smem:$0x3FD0];
	(tm) =	ssettm $0x1  }
0x92: {  	s4 =	sld [smem:$0x3FFB];
	_ =	sdelay $0x3  }
0x93: {  	_ =	strace s4  }
0x94: {  	s4 =	sld [smem:$0x3FFC];
	_ =	sdelay $0x3  }
0x95: {  	_ =	strace s4  }
0x96: {  	s4 =	sld [smem:$0x3FFD];
	_ =	sdelay $0x3  }
0x97: {  	_ =	strace s4  }
0x98: {  	_ =	strace $0x8FFFFFFF  }
0x99: {  	s19 =	sld [smem:$0x3FDB];
	_ =	sdelay $0x1  }
0x9a: {  	s5 =	simm.s32 $_scs_section_size  }
0x9b: {  	s6 =	simm.s32 $_size__tile_overlayer_lowered;
	s7 =	simm.s32 $_tile_overlayer_lowered  }
0x9c: {  	s22 =	simm.s32 $0x1BFF;
	s21 =	sshll.u32 s7, $0x1;
	s4 =	sadd.s32 s5, s19  }
0x9d: {  	s8 =	simm.s32 $0x0;
	s20 =	sshll.u32 s6, $0x1;
	s6 =	sadd.s32 s21, s4  }
0x9e: {  	[timem:s8], [sflag:s22] =	dma.local [hbm:s6], s20  }
0x9f: {  	_ =	swait.ge [sflag:s22], s20  }
0xa0: {  	s5 =	ssub.s32 $0x0, s20;
	[sflag:s22] =	ssyncset.done $0x0  }
0xa1: {  	[sflag:s22] =	ssyncadd.s32 s5;
	_ =	sdelay $0x1  }
0xa2: {  	s23 =	simm.s32 $0x1B8B  }
0xa3: {  	_ =	swait.ge [sflag:s23], $0x1  }
0xa4: {  	[sflag:s23] =	ssyncset.done $0x0  }
0xa5: {  	s25 =	simm.s32 $0x1B8E;
	s24 =	sld [smem:$0x3FFE];
	[sflag:s23] =	ssyncadd.s32 $0xFFFFFFFF  }
0xa6: {  	s26 =	simm.s32 $execute0_lowered;
	[smem:$0x3FD2] =	sst s25  }
0xa7: {  	s6 =	sshll.u32 s26, $0x1;
	_ =	strace $0x80000046;
	[dreg:$0x1] =	wrdreg $0xFFFFFFFF  }
0xa8: {  	s28 =	simm.s32 $_size_execute0_lowered;
	s4 =	sadd.s32 s4, s6;
	[dreg:$0x0] =	wrdreg $0x0  }
0xa9: {  	s6 =	sshll.u32 s28, $0x1;
	[dreg:$0x2] =	wrdreg s4  }
0xaa: {  	[dreg:$0x3] =	wrdreg s6  }
0xab: {  	[dreg:$0x4] =	wrdreg $0xC0  }
0xac: {  	_ =	task [dreg:s8], $0x5FFFF  }
0xad: {  	[dreg:$0x1] =	wrdreg $0xFFFFFFFF  }
0xae: {  	[dreg:$0x0] =	wrdreg $0x60  }
0xaf: {  	[dreg:$0x2] =	wrdreg s24  }
0xb0: {  	[dreg:$0x3] =	wrdreg s2  }
0xb1: {  	[dreg:$0x4] =	wrdreg s18  }
0xb2: {  	[dreg:$0x5] =	wrdreg $0x9  }
0xb3: {  	_ =	task.clear_ibuf [dreg:s8], $0x6FFFF;
	_ =	strace $0x90000046  }
0xb4: {  	s29 =	simm.s32 $0x9;
	_ =	strace $0x80000048  }
0xb5: {  	_ =	swait.ge [sflag:s29], $0x1  }
0xb6: {  	[sflag:s29] =	ssyncadd.s32 $0xFFFFFFFF  }
0xb7: {  	_ =	strace $0x90000048  }
0xb8: {  	_ =	sfence  }
0xb9: {  	s30 =	sld [smem:$0x0];
	_ =	sdelay $0x2  }
0xba: {  	s31 =	sshll.u32 s1, $0xD;
	s1 =	sshrl.u32 s1, $0x2  }
0xbb: {  	s3 =	sand.u32 $0x4000, s31;
	s1 =	sadd.s32 s1, s30  }
0xbc: {  	s0 =	sor.u32 s3, s0;
	s1 =	sshll.u32 s1, $0x11  }
0xbd: {  	s0 =	sor.u32 s1, s0  }
0xbe: {  	s0 =	sadd.s32 $0x8F2B, s0  }
0xbf: {  	[sflag:s0] =	ssyncadd.remote.s32 $0x1  }
0xc0: {  	_ =	sfence.sel $0xFFFF  }
0xc1: {  	[dreg:$0x0] =	wrdreg $0xFFFFFFFF;
	(pc) =	sbr.abs _section_cstart, $3  }
0xc2: {  	[dreg:$0x1] =	wrdreg $0xFFFFFFFF  }
0xc3: {  	_ =	task.clear_ibuf [dreg:s8], $0x2FFFF;
	_ =	strace $0x9FFFFFFF  }
0xc4: {  	(tm) =	ssettm $0x7FFFFFFF  }
0xc5: {  	_ =	shalt  }
tec
execute0_lowered:
.L_overlay_start_1:
0x0: {  	(tag) =	ssettag $0x1  }
0x1: {  	s0 =	rddreg [dreg:$0x0]  }
0x2: {  	s2 =	rddreg [dreg:$0x1];
	s1 =	srdreg.scid  }
0x3: {  	s4 =	rddreg [dreg:$0x2];
	s14 =	stileid.u32;
	s3 =	simm.s32 $0x0  }
0x4: {  	s17 =	simm.s32 $0x3200;
	s18 =	simm.s32 $0x3A00;
	s19 =	simm.s32 $0x4200  }
0x5: {  	s20 =	simm.s32 $0x4A00;
	s21 =	simm.s32 $0x5200;
	s22 =	simm.s32 $0x5A00  }
0x6: {  	s23 =	simm.s32 $0x6200;
	s16 =	simm.s32 $0x7200;
	s15 =	simm.s32 $0x8200  }
0x7: {  	s28 =	simm.s32 $0x1;
	s29 =	simm.s32 $0x3;
	s30 =	simm.s32 $0x2  }
0x8: {  	s31 =	simm.s32 $0x4;
	s1 =	sand.u32 $0x1, s1;
	s5 =	sshll.u32 s14, $0xA  }
0x9: {  	[smem:$0x7FF] =	sst s3;
	s8 =	sadd.s32 $0x400, s2;
	s9 =	sadd.s32 $0x500, s2  }
0xa: {  	s10 =	sadd.s32 $0x600, s2;
	s11 =	sadd.s32 $0x700, s2;
	s25 =	sshll.u32 s14, $0x12  }
0xb: {  	s14 =	simm.s32 $0x2200;
	s6 =	sshll.u32 s1, $0x9;
	s24 =	ssub.s32 $0x2, s1  }
0xc: {  	_ =	strace $0x80000047;
	s1 =	sshll.u32 s1, $0x11;
	s12 =	sor.u32 s6, s5  }
0xd: {  	s7 =	sshrl.u32 s24, $0x1;
	s5 =	sadd.s32 $0x100, s2;
	s6 =	sshrl.u32 s12, $0x3  }
0xe: {  	s13 =	ssub.s32 s24, s7;
	s7 =	sadd.s32 $0x300, s2;
	s12 =	sshll.u32 s12, $0x8  }
0xf: {  	s24 =	simm.s32 $0x6A00;
	s0 =	sadd.s32 s6, s0;
	s26 =	smax.u32 s13, $0x1  }
0x10: {  	s6 =	sadd.s32 $0x200, s2;
	s0 =	sadd.s32 $0x400, s0;
	[dreg:$0x6] =	wrdreg s26  }
0x11: {  	s13 =	simm.s32 $0x1A00;
	[dreg:$0x4] =	wrdreg s0;
	s0 =	sadd.s32 s25, s4  }
0x12: {  	s26 =	simm.s32 $0x7A00;
	s4 =	sadd.s32 s4, s12;
	s0 =	sadd.s32 s1, s0  }
0x13: {  	v2 =	vlaneseq.u32;
	s25 =	simm.s32 $0x200;
	[dreg:$0x5] =	wrdreg s4;
	s0 =	sadd.s32 $0x1000, s0  }
0x14: {  	vm0 =	vmmov $0xffff;
	v1 =	vshrl.u32 v2, $0x3;
	s12 =	simm.s32 $0x1200;
	[dreg:$0x7] =	wrdreg s0;
	s0 =	simm.s32 $0x0  }
0x15: {  	v0 =	vand.u32 $0x7, v2;
	v2 =	vor.u32 $0x8, v2;
	v1 =	vmul.u32 $0x8, v1;
	s4 =	simm.s32 $0xA00;
	s1 =	simm.s32 $0x2A00;
	[dreg:$0x8] =	wrdreg s0  }
.LBB2_1:
0x16: {  	s0 =	rddreg [dreg:$0x4]  }
0x17: {  	[tilespmem:s3], [sflag:$0x5] =	stream.linear.gather [hbm4b:s0+s3], $0x200, $0x38;
	[tilespmem:$0x10200] =	vst v63  }
0x18: {  	s0 =	simm.s32 $0x5  }
0x19: {  	_ =	swait.ge [sflag:s0], $0x200  }
0x1a: {  	[sflag:s0] =	ssyncset.done $0x0  }
0x1b: {  	[sflag:s0] =	ssyncadd.s32 $0xFFFFFE00  }
0x1c: {  	v3 =	vld [tilespmem:$0x0];
	_ =	sdelay $0x4  }
0x1d: {  	v4 =	vshll.u32 v3, $0x4  }
0x1e: {  	v3 =	vand.u32 $0x7, v3;
	v4 =	vand.u32 $0xFFFFFF80, v4  }
0x1f: {  	v3 =	vor.u32 v3, v4  }
0x20: {  	v4 =	vperm.xlane v3, v0;
	_ =	sdelay $0x1  }
0x21: {  	v4 =	vadd.s32 v1, v4;
	_ =	sdelay $0x4  }
0x22: {  	[tilespmem:s25], [sflag:$0x1] =	stream.indirect_vreg.gather [hbm4b:s2+s3], $0x80, v4, vm0, $0xb8;
	[tilespmem:$0x10200] =	vst v63  }
0x23: {  	_ = 	snop  }
0x24: {  	[tilespmem:s4], [sflag:$0x1] =	stream.indirect_vreg.gather [hbm4b:s5+s3], $0x80, v4, vm0, $0xb8;
	[tilespmem:$0x10200] =	vst v63  }
0x25: {  	_ = 	snop  }
0x26: {  	[tilespmem:s12], [sflag:$0x1] =	stream.indirect_vreg.gather [hbm4b:s6+s3], $0x80, v4, vm0, $0xb8;
	[tilespmem:$0x10200] =	vst v63  }
0x27: {  	_ = 	snop  }
0x28: {  	[tilespmem:s13], [sflag:$0x1] =	stream.indirect_vreg.gather [hbm4b:s7+s3], $0x80, v4, vm0, $0xb8;
	[tilespmem:$0x10200] =	vst v63  }
0x29: {  	_ = 	snop  }
0x2a: {  	[tilespmem:s14], [sflag:$0x1] =	stream.indirect_vreg.gather [hbm4b:s8+s3], $0x80, v4, vm0, $0xb8;
	[tilespmem:$0x10200] =	vst v63  }
0x2b: {  	v3 =	vperm.xlane v3, v2  }
0x2c: {  	[tilespmem:s1], [sflag:$0x1] =	stream.indirect_vreg.gather [hbm4b:s9+s3], $0x80, v4, vm0, $0xb8;
	[tilespmem:$0x10200] =	vst v63  }
0x2d: {  	v3 =	vadd.s32 v1, v3  }
0x2e: {  	[tilespmem:s17], [sflag:$0x1] =	stream.indirect_vreg.gather [hbm4b:s10+s3], $0x80, v4, vm0, $0xb8;
	[tilespmem:$0x10200] =	vst v63  }
0x2f: {  	_ = 	snop  }
0x30: {  	[tilespmem:s18], [sflag:$0x1] =	stream.indirect_vreg.gather [hbm4b:s11+s3], $0x80, v4, vm0, $0xb8;
	[tilespmem:$0x10200] =	vst v63  }
0x31: {  	_ = 	snop  }
0x32: {  	[tilespmem:s19], [sflag:$0x1] =	stream.indirect_vreg.gather [hbm4b:s2+s3], $0x80, v3, vm0, $0xb8;
	[tilespmem:$0x10200] =	vst v63  }
0x33: {  	_ = 	snop  }
0x34: {  	[tilespmem:s20], [sflag:$0x1] =	stream.indirect_vreg.gather [hbm4b:s5+s3], $0x80, v3, vm0, $0xb8;
	[tilespmem:$0x10200] =	vst v63  }
0x35: {  	_ = 	snop  }
0x36: {  	[tilespmem:s21], [sflag:$0x1] =	stream.indirect_vreg.gather [hbm4b:s6+s3], $0x80, v3, vm0, $0xb8;
	[tilespmem:$0x10200] =	vst v63  }
0x37: {  	_ = 	snop  }
0x38: {  	[tilespmem:s22], [sflag:$0x1] =	stream.indirect_vreg.gather [hbm4b:s7+s3], $0x80, v3, vm0, $0xb8;
	[tilespmem:$0x10200] =	vst v63  }
0x39: {  	_ = 	snop  }
0x3a: {  	[tilespmem:s23], [sflag:$0x1] =	stream.indirect_vreg.gather [hbm4b:s8+s3], $0x80, v3, vm0, $0xb8;
	[tilespmem:$0x10200] =	vst v63  }
0x3b: {  	_ = 	snop  }
0x3c: {  	[tilespmem:s24], [sflag:$0x1] =	stream.indirect_vreg.gather [hbm4b:s9+s3], $0x80, v3, vm0, $0xb8;
	[tilespmem:$0x10200] =	vst v63  }
0x3d: {  	_ = 	snop  }
0x3e: {  	[tilespmem:s16], [sflag:$0x1] =	stream.indirect_vreg.gather [hbm4b:s10+s3], $0x80, v3, vm0, $0xb8;
	[tilespmem:$0x10200] =	vst v63  }
0x3f: {  	_ = 	snop  }
0x40: {  	[tilespmem:s26], [sflag:$0x1] =	stream.indirect_vreg.gather [hbm4b:s11+s3], $0x80, v3, vm0, $0xb8;
	[tilespmem:$0x10200] =	vst v63  }
0x41: {  	v3 =	vld [tilespmem:$0x10];
	_ =	sdelay $0x4  }
0x42: {  	v63 =	vshll.u32 v3, $0x4  }
0x43: {  	v3 =	vand.u32 $0x7, v3;
	v4 =	vand.u32 $0xFFFFFF80, v63  }
0x44: {  	v3 =	vor.u32 v3, v4  }
0x45: {  	v4 =	vperm.xlane v3, v0;
	_ =	sdelay $0x1  }
0x46: {  	v4 =	vadd.s32 v1, v4;
	_ =	sdelay $0x4  }
0x47: {  	[tilespmem:s15], [sflag:$0x2] =	stream.indirect_vreg.gather [hbm4b:s2+s3], $0x80, v4, vm0, $0xb8;
	[tilespmem:$0x10200] =	vst v63  }
0x48: {  	s1 =	simm.s32 $0x8A00  }
0x49: {  	[tilespmem:s1], [sflag:$0x2] =	stream.indirect_vreg.gather [hbm4b:s5+s3], $0x80, v4, vm0, $0xb8;
	[tilespmem:$0x10200] =	vst v63  }
0x4a: {  	s4 =	simm.s32 $0x9200  }
0x4b: {  	[tilespmem:s4], [sflag:$0x2] =	stream.indirect_vreg.gather [hbm4b:s6+s3], $0x80, v4, vm0, $0xb8;
	[tilespmem:$0x10200] =	vst v63  }
0x4c: {  	s12 =	simm.s32 $0x9A00  }
0x4d: {  	[tilespmem:s12], [sflag:$0x2] =	stream.indirect_vreg.gather [hbm4b:s7+s3], $0x80, v4, vm0, $0xb8;
	[tilespmem:$0x10200] =	vst v63  }
0x4e: {  	s13 =	simm.s32 $0xA200  }
0x4f: {  	[tilespmem:s13], [sflag:$0x2] =	stream.indirect_vreg.gather [hbm4b:s8+s3], $0x80, v4, vm0, $0xb8;
	[tilespmem:$0x10200] =	vst v63  }
0x50: {  	s14 =	simm.s32 $0xAA00;
	v3 =	vperm.xlane v3, v2  }
0x51: {  	[tilespmem:s14], [sflag:$0x2] =	stream.indirect_vreg.gather [hbm4b:s9+s3], $0x80, v4, vm0, $0xb8;
	[tilespmem:$0x10200] =	vst v63  }
0x52: {  	v3 =	vadd.s32 v1, v3;
	s15 =	simm.s32 $0xB200  }
0x53: {  	[tilespmem:s15], [sflag:$0x2] =	stream.indirect_vreg.gather [hbm4b:s10+s3], $0x80, v4, vm0, $0xb8;
	[tilespmem:$0x10200] =	vst v63  }
0x54: {  	s16 =	simm.s32 $0xBA00  }
0x55: {  	[tilespmem:s16], [sflag:$0x2] =	stream.indirect_vreg.gather [hbm4b:s11+s3], $0x80, v4, vm0, $0xb8;
	[tilespmem:$0x10200] =	vst v63  }
0x56: {  	s17 =	simm.s32 $0xC200  }
0x57: {  	[tilespmem:s17], [sflag:$0x2] =	stream.indirect_vreg.gather [hbm4b:s2+s3], $0x80, v3, vm0, $0xb8;
	[tilespmem:$0x10200] =	vst v63  }
0x58: {  	s18 =	simm.s32 $0xCA00  }
0x59: {  	[tilespmem:s18], [sflag:$0x2] =	stream.indirect_vreg.gather [hbm4b:s5+s3], $0x80, v3, vm0, $0xb8;
	[tilespmem:$0x10200] =	vst v63  }
0x5a: {  	s19 =	simm.s32 $0xD200  }
0x5b: {  	[tilespmem:s19], [sflag:$0x2] =	stream.indirect_vreg.gather [hbm4b:s6+s3], $0x80, v3, vm0, $0xb8;
	[tilespmem:$0x10200] =	vst v63  }
0x5c: {  	s20 =	simm.s32 $0xDA00  }
0x5d: {  	[tilespmem:s20], [sflag:$0x2] =	stream.indirect_vreg.gather [hbm4b:s7+s3], $0x80, v3, vm0, $0xb8;
	[tilespmem:$0x10200] =	vst v63  }
0x5e: {  	s21 =	simm.s32 $0xE200;
	s22 =	simm.s32 $0xEA00  }
0x5f: {  	[tilespmem:s21], [sflag:$0x2] =	stream.indirect_vreg.gather [hbm4b:s8+s3], $0x80, v3, vm0, $0xb8;
	[tilespmem:$0x10200] =	vst v63  }
0x60: {  	s23 =	simm.s32 $0xF200;
	s24 =	simm.s32 $0xFA00;
	s1 =	simm.s32 $0x200  }
0x61: {  	[tilespmem:s22], [sflag:$0x2] =	stream.indirect_vreg.gather [hbm4b:s9+s3], $0x80, v3, vm0, $0xb8;
	[tilespmem:$0x10200] =	vst v63  }
0x62: {  	s4 =	simm.s32 $0x0;
	s13 =	simm.s32 $0xA00;
	s14 =	simm.s32 $0x1200  }
0x63: {  	[tilespmem:s23], [sflag:$0x2] =	stream.indirect_vreg.gather [hbm4b:s10+s3], $0x80, v3, vm0, $0xb8;
	[tilespmem:$0x10200] =	vst v63  }
0x64: {  	s16 =	simm.s32 $0x7200;
	s17 =	simm.s32 $0x2200;
	s18 =	simm.s32 $0x2A00  }
0x65: {  	[tilespmem:s24], [sflag:$0x2] =	stream.indirect_vreg.gather [hbm4b:s11+s3], $0x80, v3, vm0, $0xb8;
	[tilespmem:$0x10200] =	vst v63  }
0x66: {  	s19 =	simm.s32 $0x3200;
	s21 =	simm.s32 $0x4200;
	_ =	swait.ge [sflag:s28], $0x8000  }
0x67: {  	s22 =	simm.s32 $0x4A00;
	s23 =	simm.s32 $0x5200;
	[sflag:s28] =	ssyncset.done $0x0  }
0x68: {  	s24 =	simm.s32 $0x5A00;
	s26 =	rddreg [dreg:$0x5];
	[sflag:s28] =	ssyncadd.s32 $0xFFFF8000  }
0x69: {  	[hbm4b:s26+s3] =	stream.linear.scatter [tilespmem:s25], [sflag:$0x3], $0x8000, $0x38;
	[tilespmem:$0x10200] =	vst v63  }
0x6a: {  	s0 =	rddreg [dreg:$0x7];
	s26 =	simm.s32 $0x6A00;
	s25 =	simm.s32 $0x6200  }
.LBB2_2:
0x6b: {  	_ =	swait.ge [sflag:s29], $0x8000  }
0x6c: {  	[sflag:s29] =	ssyncset.done $0x0  }
0x6d: {  	s12 =	sshra.s32 s4, $0x2;
	[sflag:s29] =	ssyncadd.s32 $0xFFFF8000  }
0x6e: {  	v3 =	vld [tilespmem:s12+$0x20];
	_ =	sdelay $0x4  }
0x6f: {  	v4 =	vshll.u32 v3, $0x4  }
0x70: {  	v3 =	vand.u32 $0x7, v3;
	v4 =	vand.u32 $0xFFFFFF80, v4  }
0x71: {  	v3 =	vor.u32 v3, v4  }
0x72: {  	v4 =	vperm.xlane v3, v0;
	_ =	sdelay $0x1  }
0x73: {  	v4 =	vadd.s32 v1, v4;
	_ =	sdelay $0x4  }
0x74: {  	[tilespmem:s1], [sflag:$0x1] =	stream.indirect_vreg.gather [hbm4b:s2+s3], $0x80, v4, vm0, $0xb8;
	[tilespmem:$0x10200] =	vst v63  }
0x75: {  	_ = 	snop  }
0x76: {  	[tilespmem:s13], [sflag:$0x1] =	stream.indirect_vreg.gather [hbm4b:s5+s3], $0x80, v4, vm0, $0xb8;
	[tilespmem:$0x10200] =	vst v63  }
0x77: {  	_ = 	snop  }
0x78: {  	[tilespmem:s14], [sflag:$0x1] =	stream.indirect_vreg.gather [hbm4b:s6+s3], $0x80, v4, vm0, $0xb8;
	[tilespmem:$0x10200] =	vst v63  }
0x79: {  	s15 =	simm.s32 $0x1A00  }
0x7a: {  	[tilespmem:s15], [sflag:$0x1] =	stream.indirect_vreg.gather [hbm4b:s7+s3], $0x80, v4, vm0, $0xb8;
	[tilespmem:$0x10200] =	vst v63  }
0x7b: {  	_ = 	snop  }
0x7c: {  	[tilespmem:s17], [sflag:$0x1] =	stream.indirect_vreg.gather [hbm4b:s8+s3], $0x80, v4, vm0, $0xb8;
	[tilespmem:$0x10200] =	vst v63  }
0x7d: {  	v3 =	vperm.xlane v3, v2  }
0x7e: {  	[tilespmem:s18], [sflag:$0x1] =	stream.indirect_vreg.gather [hbm4b:s9+s3], $0x80, v4, vm0, $0xb8;
	[tilespmem:$0x10200] =	vst v63  }
0x7f: {  	v3 =	vadd.s32 v1, v3  }
0x80: {  	[tilespmem:s19], [sflag:$0x1] =	stream.indirect_vreg.gather [hbm4b:s10+s3], $0x80, v4, vm0, $0xb8;
	[tilespmem:$0x10200] =	vst v63  }
0x81: {  	s20 =	simm.s32 $0x3A00  }
0x82: {  	[tilespmem:s20], [sflag:$0x1] =	stream.indirect_vreg.gather [hbm4b:s11+s3], $0x80, v4, vm0, $0xb8;
	[tilespmem:$0x10200] =	vst v63  }
0x83: {  	_ = 	snop  }
0x84: {  	[tilespmem:s21], [sflag:$0x1] =	stream.indirect_vreg.gather [hbm4b:s2+s3], $0x80, v3, vm0, $0xb8;
	[tilespmem:$0x10200] =	vst v63  }
0x85: {  	_ = 	snop  }
0x86: {  	[tilespmem:s22], [sflag:$0x1] =	stream.indirect_vreg.gather [hbm4b:s5+s3], $0x80, v3, vm0, $0xb8;
	[tilespmem:$0x10200] =	vst v63  }
0x87: {  	_ = 	snop  }
0x88: {  	[tilespmem:s23], [sflag:$0x1] =	stream.indirect_vreg.gather [hbm4b:s6+s3], $0x80, v3, vm0, $0xb8;
	[tilespmem:$0x10200] =	vst v63  }
0x89: {  	_ = 	snop  }
0x8a: {  	[tilespmem:s24], [sflag:$0x1] =	stream.indirect_vreg.gather [hbm4b:s7+s3], $0x80, v3, vm0, $0xb8;
	[tilespmem:$0x10200] =	vst v63  }
0x8b: {  	_ = 	snop  }
0x8c: {  	[tilespmem:s25], [sflag:$0x1] =	stream.indirect_vreg.gather [hbm4b:s8+s3], $0x80, v3, vm0, $0xb8;
	[tilespmem:$0x10200] =	vst v63  }
0x8d: {  	_ = 	snop  }
0x8e: {  	[tilespmem:s26], [sflag:$0x1] =	stream.indirect_vreg.gather [hbm4b:s9+s3], $0x80, v3, vm0, $0xb8;
	[tilespmem:$0x10200] =	vst v63  }
0x8f: {  	_ = 	snop  }
0x90: {  	[tilespmem:s16], [sflag:$0x1] =	stream.indirect_vreg.gather [hbm4b:s10+s3], $0x80, v3, vm0, $0xb8;
	[tilespmem:$0x10200] =	vst v63  }
0x91: {  	s20 =	simm.s32 $0x7A00  }
0x92: {  	[tilespmem:s20], [sflag:$0x1] =	stream.indirect_vreg.gather [hbm4b:s11+s3], $0x80, v3, vm0, $0xb8;
	[tilespmem:$0x10200] =	vst v63  }
0x93: {  	_ =	swait.ge [sflag:s30], $0x8000  }
0x94: {  	[sflag:s30] =	ssyncset.done $0x0  }
0x95: {  	s20 =	simm.s32 $0x8200;
	[sflag:s30] =	ssyncadd.s32 $0xFFFF8000  }
0x96: {  	[hbm4b:s0+s3] =	stream.linear.scatter [tilespmem:s20], [sflag:$0x4], $0x8000, $0x38;
	[tilespmem:$0x10200] =	vst v63  }
0x97: {  	_ =	swait.ge [sflag:s31], $0x8000  }
0x98: {  	[sflag:s31] =	ssyncset.done $0x0  }
0x99: {  	[sflag:s31] =	ssyncadd.s32 $0xFFFF8000  }
0x9a: {  	v3 =	vld [tilespmem:s12+$0x30];
	_ =	sdelay $0x4  }
0x9b: {  	v63 =	vshll.u32 v3, $0x4  }
0x9c: {  	v3 =	vand.u32 $0x7, v3;
	v4 =	vand.u32 $0xFFFFFF80, v63  }
0x9d: {  	v3 =	vor.u32 v3, v4  }
0x9e: {  	v4 =	vperm.xlane v3, v0;
	_ =	sdelay $0x1  }
0x9f: {  	v4 =	vadd.s32 v1, v4;
	_ =	sdelay $0x4  }
0xa0: {  	[tilespmem:s20], [sflag:$0x2] =	stream.indirect_vreg.gather [hbm4b:s2+s3], $0x80, v4, vm0, $0xb8;
	[tilespmem:$0x10200] =	vst v63  }
0xa1: {  	s20 =	simm.s32 $0x8A00  }
0xa2: {  	[tilespmem:s20], [sflag:$0x2] =	stream.indirect_vreg.gather [hbm4b:s5+s3], $0x80, v4, vm0, $0xb8;
	[tilespmem:$0x10200] =	vst v63  }
0xa3: {  	s20 =	simm.s32 $0x9200  }
0xa4: {  	[tilespmem:s20], [sflag:$0x2] =	stream.indirect_vreg.gather [hbm4b:s6+s3], $0x80, v4, vm0, $0xb8;
	[tilespmem:$0x10200] =	vst v63  }
0xa5: {  	s20 =	simm.s32 $0x9A00  }
0xa6: {  	[tilespmem:s20], [sflag:$0x2] =	stream.indirect_vreg.gather [hbm4b:s7+s3], $0x80, v4, vm0, $0xb8;
	[tilespmem:$0x10200] =	vst v63  }
0xa7: {  	s20 =	simm.s32 $0xA200  }
0xa8: {  	[tilespmem:s20], [sflag:$0x2] =	stream.indirect_vreg.gather [hbm4b:s8+s3], $0x80, v4, vm0, $0xb8;
	[tilespmem:$0x10200] =	vst v63  }
0xa9: {  	v3 =	vperm.xlane v3, v2;
	s20 =	simm.s32 $0xAA00  }
0xaa: {  	[tilespmem:s20], [sflag:$0x2] =	stream.indirect_vreg.gather [hbm4b:s9+s3], $0x80, v4, vm0, $0xb8;
	[tilespmem:$0x10200] =	vst v63  }
0xab: {  	v3 =	vadd.s32 v1, v3;
	s20 =	simm.s32 $0xB200  }
0xac: {  	[tilespmem:s20], [sflag:$0x2] =	stream.indirect_vreg.gather [hbm4b:s10+s3], $0x80, v4, vm0, $0xb8;
	[tilespmem:$0x10200] =	vst v63  }
0xad: {  	s20 =	simm.s32 $0xBA00  }
0xae: {  	[tilespmem:s20], [sflag:$0x2] =	stream.indirect_vreg.gather [hbm4b:s11+s3], $0x80, v4, vm0, $0xb8;
	[tilespmem:$0x10200] =	vst v63  }
0xaf: {  	s20 =	simm.s32 $0xC200  }
0xb0: {  	[tilespmem:s20], [sflag:$0x2] =	stream.indirect_vreg.gather [hbm4b:s2+s3], $0x80, v3, vm0, $0xb8;
	[tilespmem:$0x10200] =	vst v63  }
0xb1: {  	s20 =	simm.s32 $0xCA00  }
0xb2: {  	[tilespmem:s20], [sflag:$0x2] =	stream.indirect_vreg.gather [hbm4b:s5+s3], $0x80, v3, vm0, $0xb8;
	[tilespmem:$0x10200] =	vst v63  }
0xb3: {  	s20 =	simm.s32 $0xD200  }
0xb4: {  	[tilespmem:s20], [sflag:$0x2] =	stream.indirect_vreg.gather [hbm4b:s6+s3], $0x80, v3, vm0, $0xb8;
	[tilespmem:$0x10200] =	vst v63  }
0xb5: {  	s20 =	simm.s32 $0xDA00  }
0xb6: {  	[tilespmem:s20], [sflag:$0x2] =	stream.indirect_vreg.gather [hbm4b:s7+s3], $0x80, v3, vm0, $0xb8;
	[tilespmem:$0x10200] =	vst v63  }
0xb7: {  	s20 =	simm.s32 $0xE200  }
0xb8: {  	[tilespmem:s20], [sflag:$0x2] =	stream.indirect_vreg.gather [hbm4b:s8+s3], $0x80, v3, vm0, $0xb8;
	[tilespmem:$0x10200] =	vst v63  }
0xb9: {  	s20 =	simm.s32 $0xEA00  }
0xba: {  	[tilespmem:s20], [sflag:$0x2] =	stream.indirect_vreg.gather [hbm4b:s9+s3], $0x80, v3, vm0, $0xb8;
	[tilespmem:$0x10200] =	vst v63  }
0xbb: {  	s20 =	simm.s32 $0xF200  }
0xbc: {  	[tilespmem:s20], [sflag:$0x2] =	stream.indirect_vreg.gather [hbm4b:s10+s3], $0x80, v3, vm0, $0xb8;
	[tilespmem:$0x10200] =	vst v63  }
0xbd: {  	p0 =	sne.s32 s4, $0x700;
	s20 =	simm.s32 $0xFA00  }
0xbe: {  	[tilespmem:s20], [sflag:$0x2] =	stream.indirect_vreg.gather [hbm4b:s11+s3], $0x80, v3, vm0, $0xb8;
	[tilespmem:$0x10200] =	vst v63  }
.Ltmp0:
0xbf: {  	_ = 	snop;
	(pc) =	sbr.rel @p0 .LBB2_2-.Ltmp0, $4  }
0xc0: {  	_ =	swait.ge [sflag:s28], $0x8000  }
0xc1: {  	s4 =	sadd.s32 $0x80, s4;
	s15 =	simm.s32 $0x8200;
	[sflag:s28] =	ssyncset.done $0x0  }
0xc2: {  	s20 =	sadd.s32 $0x1000, s0;
	s0 =	sadd.s32 $0x2000, s0;
	[sflag:s28] =	ssyncadd.s32 $0xFFFF8000  }
0xc3: {  	[hbm4b:s20+s3] =	stream.linear.scatter [tilespmem:s1], [sflag:$0x3], $0x8000, $0x38;
	[tilespmem:$0x10200] =	vst v63  }
0xc4: {  	_ =	swait.ge [sflag:s30], $0x8000  }
0xc5: {  	[sflag:s30] =	ssyncset.done $0x0  }
0xc6: {  	[sflag:s30] =	ssyncadd.s32 $0xFFFF8000  }
0xc7: {  	[hbm4b:s0+s3] =	stream.linear.scatter [tilespmem:s15], [sflag:$0x4], $0x8000, $0x38;
	[tilespmem:$0x10200] =	vst v63  }
0xc8: {  	_ =	swait.ge [sflag:s29], $0x8000  }
0xc9: {  	[sflag:s29] =	ssyncset.done $0x0  }
0xca: {  	[sflag:s29] =	ssyncadd.s32 $0xFFFF8000  }
0xcb: {  	_ =	swait.ge [sflag:s31], $0x8000  }
0xcc: {  	s4 =	simm.s32 $0xA00;
	s12 =	simm.s32 $0x1200;
	s1 =	rddreg [dreg:$0x8]  }
0xcd: {  	s13 =	simm.s32 $0x1A00;
	s26 =	rddreg [dreg:$0x6];
	s1 =	sadd.s32 $0x1, s1  }
0xce: {  	s14 =	simm.s32 $0x2200;
	s17 =	simm.s32 $0x3200;
	p0 =	sne.s32 s1, s26  }
.Ltmp1:
0xcf: {  	s18 =	simm.s32 $0x3A00;
	s19 =	simm.s32 $0x4200;
	(pc) =	sbr.rel @p0 .LBB2_1-.Ltmp1, $4  }
0xd0: {  	s20 =	simm.s32 $0x4A00;
	s21 =	simm.s32 $0x5200;
	s22 =	simm.s32 $0x5A00  }
0xd1: {  	s23 =	simm.s32 $0x6200;
	s24 =	simm.s32 $0x6A00;
	[sflag:s31] =	ssyncset.done $0x0  }
0xd2: {  	s16 =	simm.s32 $0x7200;
	s25 =	simm.s32 $0x200;
	[sflag:s31] =	ssyncadd.s32 $0xFFFF8000  }
0xd3: {  	[dreg:$0x8] =	wrdreg s1;
	s1 =	simm.s32 $0x2A00;
	s26 =	simm.s32 $0x7A00  }
0xd4: {  	_ =	sfence.sel $0x180000  }
0xd5: {  	[bflag:$0x0] =	sbarrier.arrive $0xFFFF  }
0xd6: {  	_ =	strace $0x90000047  }
0xd7: {  	s0 =	stileid.u32;
	[bflag:$0x2] =	sbarrier.arrive $0xFFFF  }
0xd8: {  	p0 =	sne.s32 s0, $0x0;
	s0 =	rddreg [dreg:$0x3]  }
0xd9: {  	s0 =	sadd.s32 @!p0 $0x100000, s0  }
0xda: {  	[sflag:s0] =	ssyncadd.tile.s32 @!p0 $0x1;
	_ =	shalt  }
.Lfunc_end2:
_tile_overlayer_lowered:
.L_overlay_start_2:
0xdb: {  	(tag) =	ssettag $0x2  }
0xdc: {  	s0 =	rddreg [dreg:$0x0];
	s2 =	stileid.u32  }
0xdd: {  	s1 =	rddreg [dreg:$0x1];
	p0 =	sne.s32 s2, $0x0  }
0xde: {  	s3 =	rddreg [dreg:$0x2];
	[bflag:$0x3] =	sbarrier.arrive $0xFFFF;
	s2 =	simm.s32 @!p0 $0x1C05  }
0xdf: {  	[timem:s3], [sflag:s2] =	dma.local @!p0 [hbm:s0], s1  }
0xe0: {  	s0 =	simm.s32 @!p0 $0x5  }
0xe1: {  	_ =	swait.ge @!p0 [sflag:s0], s1  }
0xe2: {  	s1 =	ssub.s32 @!p0 $0x0, s1;
	[sflag:s0] =	ssyncset.done @!p0 $0x0  }
0xe3: {  	[sflag:s0] =	ssyncadd.s32 @!p0 s1  }
0xe4: {  	[bflag:$0x3] =	sbarrier.arrive $0xFFFF  }
0xe5: {  	_ =	shalt  }

</sc_bundles>
